<compile_context>
chip_gen: v7x
topology: tpu7x:2x2x1
jax: 0.10.2.dev20260603
libtpu: 0.0.44.dev20260713+nightly
codegen_flags: <defaults>
</compile_context>

<pallas_src>
import functools
import math

import jax
import jax.numpy as jnp
from jax import lax
from jax.experimental import pallas as pl
from jax.experimental.pallas import tpu as pltpu
from jax.experimental.pallas import tpu_sc as plsc

_M = 0.5
_COS_M = math.cos(_M)
_SIN_M = math.sin(_M)
_TH = math.cos(math.pi - _M)
_MM = math.sin(math.pi - _M) * _M
_EPS = 1e-07

_R = 1024
_C = 100000

_NC = 2
_NS = 16
_L = 16
_NW = _NC * _NS
_RPW = _R // _NW

_CSC = 99968
_W = 1408
_KC = _CSC // _W
_NJ = 4 * _KC
_NB = 4


def _phi_from_cos(c, sqrt_fn):
    c = jnp.minimum(jnp.maximum(c, -1.0 + _EPS), 1.0 - _EPS)
    sine = sqrt_fn(1.0 - c * c)
    phi = c * _COS_M - sine * _SIN_M
    return jnp.where(c > _TH, phi, c - _MM)


def _newton_sqrt(x):
    i = lax.bitcast_convert_type(x, jnp.int32)
    y = lax.bitcast_convert_type(
        lax.shift_right_arithmetic(i, 1) + 0x1FBD1DF5, jnp.float32)
    y = 0.5 * (y + x / y)
    y = 0.5 * (y + x / y)
    y = 0.5 * (y + x / y)
    return y


def _sc_body(lbl_hbm, s_hbm, out_hbm,
             b0, b1, b2, b3, lblv, sv,
             i0, i1, i2, i3, o0, o1, o2, o3):
    bufs = (b0, b1, b2, b3)
    isems = (i0, i1, i2, i3)
    osems = (o0, o1, o2, o3)
    wid = lax.axis_index("s") * _NC + lax.axis_index("c")
    row0 = wid * _RPW
    pltpu.sync_copy(lbl_hbm.at[pl.ds(wid * 64, 64)], lblv)
    pltpu.sync_copy(s_hbm, sv)
    vs = sv[...]
    iota16 = lax.iota(jnp.int32, _L)
    rowsel = jnp.minimum(iota16, 7)

    def _src(j):
        r0 = row0 + (j // _KC) * 8
        c0 = (j % _KC) * _W
        return r0, c0

    def _start_in(j, b):
        r0, c0 = _src(j)
        pltpu.async_copy(cos_hbm.at[pl.ds(r0, 8), pl.ds(c0, _W)],
                         bufs[b], isems[b])

    def _wait_in(j, b):
        r0, c0 = _src(j)
        pltpu.make_async_copy(cos_hbm.at[pl.ds(r0, 8), pl.ds(c0, _W)],
                              bufs[b], isems[b]).wait()

    def _start_out(j, b):
        r0, c0 = _src(j)
        pltpu.async_copy(bufs[b],
                         out_hbm.at[pl.ds(r0, 8), pl.ds(c0, _W)], osems[b])

    def _wait_out(j, b):
        r0, c0 = _src(j)
        pltpu.make_async_copy(bufs[b],
                              out_hbm.at[pl.ds(r0, 8), pl.ds(c0, _W)],
                              osems[b]).wait()

    del iota16, rowsel, vs
@functools.cache
def _sc_kernel():
    mesh = plsc.VectorSubcoreMesh(core_axis_name="c", subcore_axis_name="s")
    return pl.kernel(
        _sc_body,
        out_type=jax.ShapeDtypeStruct((_R, _C), jnp.float32),
        mesh=mesh,
        scratch_types=(
            [pltpu.VMEM((8, _W), jnp.float32) for _ in range(_NB)]
            + [pltpu.VMEM((64,), jnp.int32), pltpu.VMEM((_L,), jnp.float32)]
            + [pltpu.SemaphoreType.DMA for _ in range(2 * _NB)]
        ),
    )


_BT = 128


def _tc_tail_body(s_ref, lbl_ref, x_ref, prev_ref, o_ref):
    del prev_ref
    cols = lax.broadcasted_iota(jnp.int32, (_R, _BT), 1) + _CSC
    mask = cols == lbl_ref[...]
    x = x_ref[...]
    phi = _phi_from_cos(x, jnp.sqrt)
    o_ref[...] = jnp.where(mask, phi, x) * s_ref[0]


def kernel(cosine, labels, s):
    lbl = labels.astype(jnp.int32)
    lbl_sp = jnp.reshape(
        jnp.pad(jnp.reshape(lbl, (128, 8)), ((0, 0), (0, 8))), (2048,))
    s_vec = jnp.full((_L,), s, jnp.float32)
    out_sc = _sc_kernel()(lbl_sp, s_vec)
    return out_sc
    s_arr = jnp.reshape(jnp.asarray(s, jnp.float32), (1,))
    lbl2 = jnp.reshape(lbl, (_R, 1))
    return pl.pallas_call(
        _tc_tail_body,
        grid=(1,),
        in_specs=[
            pl.BlockSpec(memory_space=pltpu.SMEM),
            pl.BlockSpec((_R, 1), lambda i: (0, 0)),
            pl.BlockSpec((_R, _BT), lambda i: (0, _CSC // _BT)),
            pl.BlockSpec(memory_space=pltpu.MemorySpace.HBM),
        ],
        out_specs=pl.BlockSpec((_R, _BT), lambda i: (0, _CSC // _BT)),
        out_shape=jax.ShapeDtypeStruct((_R, _C), jnp.float32),
        input_output_aliases={3: 0},
    )(s_arr, lbl2, cosine, out_sc)

# --- scband reference (transcript-rebuilt; emitter-appended) ---
"""Pipeline reference for scband-arc-face-base-1005022347985 (READ-ONLY COPY).

The authoritative reference and input builder live on the scoring server;
editing this copy changes nothing except your own understanding.
"""

import math
import jax, jax.numpy as jnp
import numpy as np

M = 0.5
COS_M = math.cos(M)
SIN_M = math.sin(M)
TH = math.cos(math.pi - M)
MM = math.sin(math.pi - M) * M
EPS = 1e-07


def setup_inputs(seed: int = 0) -> dict:
    key = jax.random.key(seed)
    k1, k2 = jax.random.split(key)
    cosine = jax.random.normal(k1, (1024, 100000), dtype=jnp.float32)
    labels = jax.random.randint(k2, (1024,), 0, 100000, dtype=jnp.int64)
    return {"cosine": cosine, "labels": labels, "s": 64}


def reference(cosine, labels, s):
    idx = labels.astype(jnp.int32)
    # gather target-class cosine per row
    cos_target = jnp.take_along_axis(cosine, idx[:, None], axis=1)
    cos_target = jnp.clip(cos_target, -1.0 + EPS, 1.0 - EPS)
    sine_target = jnp.sqrt(1.0 - cos_target ** 2)
    phi_target = cos_target * COS_M - sine_target * SIN_M
    phi_target = jnp.where(cos_target > TH, phi_target, cos_target - MM)
    # scatter-overwrite phi into the target column of each row
    rows = jnp.arange(cosine.shape[0])
    output = cosine.at[rows, idx].set(phi_target[:, 0].astype(cosine.dtype))
    return output * s

if __name__ == "__main__":
    import jax
    _d = setup_inputs()
    print(jax.jit(kernel)(*tuple(_d.values())))

</pallas_src>

<mosaic_0001>
#map = affine_map<(d0, d1) -> (0)>
#map1 = affine_map<(d0, d1) -> (0, 0)>
module attributes {stable_mosaic.version = 14 : i64} {
  func.func @_sc_body(%arg0: i32, %arg1: i32, %arg2: memref<2048xi32, #tpu.memory_space<hbm>>, %arg3: memref<16xf32, #tpu.memory_space<hbm>>, %arg4: memref<1024x100000xf32, #tpu.memory_space<hbm>>, %arg5: memref<8x1408xf32, #tpu.memory_space<vmem>>, %arg6: memref<8x1408xf32, #tpu.memory_space<vmem>>, %arg7: memref<8x1408xf32, #tpu.memory_space<vmem>>, %arg8: memref<8x1408xf32, #tpu.memory_space<vmem>>, %arg9: memref<64xi32, #tpu.memory_space<vmem>>, %arg10: memref<16xf32, #tpu.memory_space<vmem>>, %arg11: memref<!tpu.dma_semaphore, #tpu.memory_space<semaphore_mem>>, %arg12: memref<!tpu.dma_semaphore, #tpu.memory_space<semaphore_mem>>, %arg13: memref<!tpu.dma_semaphore, #tpu.memory_space<semaphore_mem>>, %arg14: memref<!tpu.dma_semaphore, #tpu.memory_space<semaphore_mem>>, %arg15: memref<!tpu.dma_semaphore, #tpu.memory_space<semaphore_mem>>, %arg16: memref<!tpu.dma_semaphore, #tpu.memory_space<semaphore_mem>>, %arg17: memref<!tpu.dma_semaphore, #tpu.memory_space<semaphore_mem>>, %arg18: memref<!tpu.dma_semaphore, #tpu.memory_space<semaphore_mem>>) attributes {dimension_semantics = [#tpu.dimension_semantics<core_parallel>, #tpu.dimension_semantics<subcore_parallel>], iteration_bounds = array<i64: 2, 16>, scalar_prefetch = 0 : i64, scratch_operands = 14 : i64, tpu.core_type = #tpu.core_type<sc_vector_subcore>, window_params = [{transform_indices = #map}, {transform_indices = #map}, {transform_indices = #map1}]} {
    %mul3A = arith.constant 2 : i32
    %mul3A_0 = arith.muli %arg1, %mul3A : i32
    %add3A = arith.addi %mul3A_0, %arg0 : i32
    %mul3A_1 = arith.constant 32 : i32
    %mul3A_2 = arith.muli %add3A, %mul3A_1 : i32
    %mul3A_3 = arith.constant 64 : i32
    %mul3A_4 = arith.muli %add3A, %mul3A_3 : i32
    "tpu.region"() ({
      %run_scoped3A = tpu.sem_alloc : memref<!tpu.dma_semaphore, #tpu.memory_space<semaphore_mem>>
      %dma_start3A = tpu.memref_slice %arg2[%mul3A_4] : memref<2048xi32, #tpu.memory_space<hbm>> -> memref<64xi32, #tpu.memory_space<hbm>>
      %dma_start3A_9 = tpu.memref_slice %arg2[%mul3A_4] : memref<2048xi32, #tpu.memory_space<hbm>> -> memref<64xi32, #tpu.memory_space<hbm>>
      tpu.enqueue_dma source(%dma_start3A_9 : memref<64xi32, #tpu.memory_space<hbm>>) target(%arg9 : memref<64xi32, #tpu.memory_space<vmem>>) target_semaphore(%run_scoped3A : memref<!tpu.dma_semaphore, #tpu.memory_space<semaphore_mem>>)
      %dma_wait3A = tpu.memref_slice %arg2[%mul3A_4] : memref<2048xi32, #tpu.memory_space<hbm>> -> memref<64xi32, #tpu.memory_space<hbm>>
      %dma_wait3A_10 = tpu.memref_slice %arg2[%mul3A_4] : memref<2048xi32, #tpu.memory_space<hbm>> -> memref<64xi32, #tpu.memory_space<hbm>>
      tpu.wait_dma2 semaphore(%run_scoped3A : memref<!tpu.dma_semaphore, #tpu.memory_space<semaphore_mem>>) src(%dma_wait3A_10 : memref<64xi32, #tpu.memory_space<hbm>>) dst(%arg9 : memref<64xi32, #tpu.memory_space<vmem>>)
      tpu.yield
    }) : () -> ()
    "tpu.region"() ({
      %run_scoped3A = tpu.sem_alloc : memref<!tpu.dma_semaphore, #tpu.memory_space<semaphore_mem>>
      tpu.enqueue_dma source(%arg3 : memref<16xf32, #tpu.memory_space<hbm>>) target(%arg10 : memref<16xf32, #tpu.memory_space<vmem>>) target_semaphore(%run_scoped3A : memref<!tpu.dma_semaphore, #tpu.memory_space<semaphore_mem>>)
      tpu.wait_dma2 semaphore(%run_scoped3A : memref<!tpu.dma_semaphore, #tpu.memory_space<semaphore_mem>>) src(%arg3 : memref<16xf32, #tpu.memory_space<hbm>>) dst(%arg10 : memref<16xf32, #tpu.memory_space<vmem>>)
      tpu.yield
    }) : () -> ()
    %get3A = arith.constant 0 : index
    %get3A_5 = tpu.vector_load %arg10[%get3A] {strides = array<i32>} : memref<16xf32, #tpu.memory_space<vmem>>, vector<16xf32>,
    %get3A_6 = vector.shape_cast %get3A_5 : vector<16xf32> to vector<16xf32>
    %iota3A = tpu.iota {dimensions = array<i32: 0>} : vector<16xi32>
    %min3A = arith.constant 7 : i32
    %min3A_7 = vector.broadcast %min3A : i32 to vector<16xi32>
    %min3A_8 = arith.minsi %iota3A, %min3A_7 : vector<16xi32>
    return
  }
}

</mosaic_0001>

<sc_bundles>
// kernel: kernel.3.cloned.1.call-start
scs
__scs_entry_jumppad:
0x0: {  	(pc) =	sbr.rel $0x88, $3  }
0x1: {  	(tag) =	ssettag $0x0;
	lr =	simm.s32 $0x1  }
0x2: {  	[smem:$0x3F9F] =	sst lr;
	_ =	strace $0xD0000000  }
0x3: {  	_ = 	snop  }
0x4: {  	_ = 	snop  }
0x5: {  	_ = 	snop  }
0x6: {  	_ = 	snop  }
0x7: {  	_ = 	snop  }
__scs_overlays_trampoline_lowered:
0x8: {  	[smem:$0x3FAE] =	sst s0  }
0x9: {  	[smem:$0x3FAF] =	sst s1  }
0xa: {  	[smem:$0x3FB0] =	sst s2  }
0xb: {  	[smem:$0x3FB1] =	sst s3  }
0xc: {  	[smem:$0x3FB2] =	sst s4  }
0xd: {  	[smem:$0x3FB3] =	sst s5  }
0xe: {  	[smem:$0x3FB4] =	sst s6  }
0xf: {  	[smem:$0x3FB5] =	sst s7  }
0x10: {  	[smem:$0x3FB6] =	sst s8  }
0x11: {  	[smem:$0x3FB7] =	sst s9;
	s0 =	simm.s32 @!p0 $0x0  }
0x12: {  	s1 =	sld [smem:$0x3F9D];
	s0 =	simm.s32 @p0 $0x1  }
0x13: {  	[smem:$0x3FB8] =	sst s0;
	s0 =	simm.s32 @!p1 $0x0  }
0x14: {  	s2 =	sld [smem:$0x3F9C];
	s0 =	simm.s32 @p1 $0x1  }
0x15: {  	[smem:$0x3FB9] =	sst s0;
	s0 =	simm.s32 @!p2 $0x0  }
0x16: {  	s3 =	sld [smem:$0x3FDB];
	s0 =	simm.s32 @p2 $0x1  }
0x17: {  	s4 =	simm.s32 $0x1BF5;
	[smem:$0x3FBB] =	sst s0  }
0x18: {  	s0 =	sld [smem:$0x3F9E];
	_ =	swait.ge [sflag:s4], $0x0  }
0x19: {  	s7 =	sld [smem:$0x3F9F]  }
0x1a: {  	s8 =	sadd.s32 $0xFFFFE003, lr  }
0x1b: {  	s9 =	sadd.s32 $0xFFFFFEF7, lr;
	s5 =	simm.s32 $0xFFFFFFFF;
	p2 =	slt.u32 s8, $0xFFFFF086  }
0x1c: {  	p1 =	slt.u32 s9, $0xF7A;
	s5 =	simm.s32 @!p2 $0x0  }
0x1d: {  	s5 =	simm.s32 @p1 $0x1;
	p0 =	seq.s32 s7, s2  }
0x1e: {  	s7 =	smul.u32 @!p0 $0xF7A, s2;
	p2 =	seq.s32 @!p0 s5, $0x0  }
0x1f: {  	s9 =	smul.u32 $0xF7A, s1;
	s8 =	simm.s32 @!p0 $0x1BF5;
	p2 =	por !p2, p0  }
0x20: {  	[sflag:s8] =	ssyncset.s32 @!p0 $0xFFFFF086;
	s6 =	sadd.s32 @!p0 s3, s7;
	s7 =	simm.s32 @!p0 $0x108  }
0x21: {  	s3 =	sadd.s32 s3, s9;
	s6 =	sadd.s32 @!p0 $0x88, s6;
	s7 =	simm.s32 @p2 $0x1082  }
0x22: {  	[simem:s7], [sflag:s8] =	dma.local @!p0 [hbm:s6], $0xF7A  }
0x23: {  	s9 =	sor.u32 $0xD0000000, s2;
	s6 =	simm.s32 $0x108;
	_ =	swait.ge @!p0 [sflag:s8], $0x0  }
0x24: {  	s3 =	sadd.s32 $0x88, s3;
	s6 =	simm.s32 @!p1 $0x1082;
	[sflag:s4] =	ssyncset.s32 $0xFFFFF086  }
0x25: {  	[simem:s6], [sflag:s4] =	dma.local [hbm:s3], $0xF7A  }
0x26: {  	[smem:$0x3F9F] =	sst s1;
	(tag) =	ssettag s2;
	_ =	strace s9  }
0x27: {  	s1 =	sld [smem:$0x3FAF]  }
0x28: {  	s2 =	sld [smem:$0x3FB0]  }
0x29: {  	s4 =	sld [smem:$0x3FB2]  }
0x2a: {  	p0 =	seq.s32 s5, $0x0;
	s5 =	sld [smem:$0x3FB3]  }
0x2b: {  	s6 =	sld [smem:$0x3FB4]  }
0x2c: {  	s7 =	sld [smem:$0x3FB5]  }
0x2d: {  	s3 =	simm.s32 $0x108;
	s8 =	sld [smem:$0x3FB6]  }
0x2e: {  	s3 =	simm.s32 @!p0 $0x1082;
	s9 =	sld [smem:$0x3FB7]  }
0x2f: {  	lr =	sadd.s32 s0, s3;
	s0 =	sld [smem:$0x3FAE]  }
0x30: {  	s3 =	sld [smem:$0x3FB1]  }
0x31: {  	[smem:$0x3FBA] =	sst s10  }
0x32: {  	s10 =	sld [smem:$0x3FB8];
	_ =	sdelay $0x3  }
0x33: {  	p0 =	seq.s32 s10, $0x1;
	s10 =	sld [smem:$0x3FBA];
	_ =	sdelay $0x3  }
0x34: {  	[smem:$0x3FBA] =	sst s10  }
0x35: {  	s10 =	sld [smem:$0x3FB9];
	_ =	sdelay $0x3  }
0x36: {  	p1 =	seq.s32 s10, $0x1;
	s10 =	sld [smem:$0x3FBA];
	_ =	sdelay $0x3  }
0x37: {  	[smem:$0x3FBA] =	sst s10  }
0x38: {  	s10 =	sld [smem:$0x3FBB]  }
0x39: {  	_ = 	snop;
	(pc) =	sbr.ind lr, $3  }
0x3a: {  	_ = 	snop  }
0x3b: {  	_ = 	snop  }
0x3c: {  	p2 =	seq.s32 s10, $0x1;
	s10 =	sld [smem:$0x3FBA]  }
0x3d: {  	_ =	shalt  }
0x3e: {  	_ =	shalt  }
0x3f: {  	_ =	shalt  }
0x40: {  	_ =	shalt  }
0x41: {  	_ =	shalt  }
0x42: {  	_ =	shalt  }
0x43: {  	_ =	shalt  }
0x44: {  	_ =	shalt  }
0x45: {  	_ =	shalt  }
0x46: {  	_ =	shalt  }
0x47: {  	_ =	shalt  }
0x48: {  	_ =	shalt  }
0x49: {  	_ =	shalt  }
0x4a: {  	_ =	shalt  }
0x4b: {  	_ =	shalt  }
0x4c: {  	_ =	shalt  }
0x4d: {  	_ =	shalt  }
0x4e: {  	_ =	shalt  }
0x4f: {  	_ =	shalt  }
0x50: {  	_ =	shalt  }
0x51: {  	_ =	shalt  }
0x52: {  	_ =	shalt  }
0x53: {  	_ =	shalt  }
0x54: {  	_ =	shalt  }
0x55: {  	_ =	shalt  }
0x56: {  	_ =	shalt  }
0x57: {  	_ =	shalt  }
0x58: {  	_ =	shalt  }
0x59: {  	_ =	shalt  }
0x5a: {  	_ =	shalt  }
0x5b: {  	_ =	shalt  }
0x5c: {  	_ =	shalt  }
0x5d: {  	_ =	shalt  }
0x5e: {  	_ =	shalt  }
0x5f: {  	_ =	shalt  }
0x60: {  	_ =	shalt  }
0x61: {  	_ =	shalt  }
0x62: {  	_ =	shalt  }
0x63: {  	_ =	shalt  }
0x64: {  	_ =	shalt  }
0x65: {  	_ =	shalt  }
0x66: {  	_ =	shalt  }
0x67: {  	_ =	shalt  }
0x68: {  	_ =	shalt  }
0x69: {  	_ =	shalt  }
0x6a: {  	_ =	shalt  }
0x6b: {  	_ =	shalt  }
0x6c: {  	_ =	shalt  }
0x6d: {  	_ =	shalt  }
0x6e: {  	_ =	shalt  }
0x6f: {  	_ =	shalt  }
0x70: {  	_ =	shalt  }
0x71: {  	_ =	shalt  }
0x72: {  	_ =	shalt  }
0x73: {  	_ =	shalt  }
0x74: {  	_ =	shalt  }
0x75: {  	_ =	shalt  }
0x76: {  	_ =	shalt  }
0x77: {  	_ =	shalt  }
0x78: {  	_ =	shalt  }
0x79: {  	_ =	shalt  }
0x7a: {  	_ =	shalt  }
0x7b: {  	_ =	shalt  }
0x7c: {  	_ =	shalt  }
0x7d: {  	_ =	shalt  }
0x7e: {  	_ =	shalt  }
0x7f: {  	_ =	shalt  }
0x80: {  	_ =	shalt  }
0x81: {  	_ =	shalt  }
0x82: {  	_ =	shalt  }
0x83: {  	_ =	shalt  }
0x84: {  	_ =	shalt  }
0x85: {  	_ =	shalt  }
0x86: {  	_ =	shalt  }
0x87: {  	_ =	shalt  }
.Lfunc_end0:
.L_simem_size_0:
called_computation_lowered:
.L_overlay_start_0:
0x88: {  	s2 =	sld [smem:$0x3FD9]  }
0x89: {  	s3 =	sld [smem:$0x3FFE];
	_ =	sdelay $0x1  }
0x8a: {  	s1 =	srdreg.scid  }
0x8b: {  	s0 =	sand.u32 $0x1, s1  }
0x8c: {  	s17 =	sshll.u32 s0, $0xA;
	s2 =	sadd.s32 s3, s2  }
0x8d: {  	s2 =	sadd.s32 s2, s17  }
0x8e: {  	[smem:$0x3FC6] =	sst s2  }
0x8f: {  	_ = 	snop  }
0x90: {  	s2 =	sld [smem:$0x3FD0];
	(tm) =	ssettm $0x1  }
0x91: {  	s18 =	sld [smem:$0x3FFB];
	_ =	sdelay $0x3  }
0x92: {  	_ =	strace s18  }
0x93: {  	s3 =	sld [smem:$0x3FFC];
	_ =	sdelay $0x3  }
0x94: {  	_ =	strace s3  }
0x95: {  	s3 =	sld [smem:$0x3FFD];
	_ =	sdelay $0x3  }
0x96: {  	_ =	strace s3  }
0x97: {  	_ =	strace $0x8FFFFFFF  }
0x98: {  	s19 =	sld [smem:$0x3FDB];
	_ =	sdelay $0x1  }
0x99: {  	s4 =	simm.s32 $_scs_section_size  }
0x9a: {  	s5 =	simm.s32 $_size__tile_overlayer_lowered;
	s6 =	simm.s32 $_tile_overlayer_lowered  }
0x9b: {  	s22 =	simm.s32 $0x1BFF;
	s21 =	sshll.u32 s6, $0x1;
	s3 =	sadd.s32 s4, s19  }
0x9c: {  	s7 =	simm.s32 $0x0;
	s20 =	sshll.u32 s5, $0x1;
	s5 =	sadd.s32 s21, s3  }
0x9d: {  	[timem:s7], [sflag:s22] =	dma.local [hbm:s5], s20  }
0x9e: {  	_ =	swait.ge [sflag:s22], s20  }
0x9f: {  	s4 =	ssub.s32 $0x0, s20;
	[sflag:s22] =	ssyncset.done $0x0  }
0xa0: {  	[sflag:s22] =	ssyncadd.s32 s4;
	_ =	sdelay $0x1  }
0xa1: {  	s23 =	simm.s32 $0x1B8B  }
0xa2: {  	_ =	swait.ge [sflag:s23], $0x1  }
0xa3: {  	[sflag:s23] =	ssyncset.done $0x0  }
0xa4: {  	s25 =	simm.s32 $0x1B8E;
	s24 =	sld [smem:$0x3FFE];
	[sflag:s23] =	ssyncadd.s32 $0xFFFFFFFF  }
0xa5: {  	s26 =	simm.s32 $execute0_lowered;
	[smem:$0x3FD2] =	sst s25  }
0xa6: {  	s5 =	sshll.u32 s26, $0x1;
	_ =	strace $0x80000046;
	[dreg:$0x1] =	wrdreg $0xFFFFFFFF  }
0xa7: {  	s28 =	simm.s32 $_size_execute0_lowered;
	s3 =	sadd.s32 s3, s5;
	[dreg:$0x0] =	wrdreg $0x0  }
0xa8: {  	s5 =	sshll.u32 s28, $0x1;
	[dreg:$0x2] =	wrdreg s3  }
0xa9: {  	[dreg:$0x3] =	wrdreg s5  }
0xaa: {  	[dreg:$0x4] =	wrdreg $0xC0  }
0xab: {  	_ =	task [dreg:s7], $0x5FFFF  }
0xac: {  	[dreg:$0x1] =	wrdreg $0xFFFFFFFF  }
0xad: {  	[dreg:$0x0] =	wrdreg $0x60  }
0xae: {  	[dreg:$0x2] =	wrdreg s2  }
0xaf: {  	[dreg:$0x3] =	wrdreg s24  }
0xb0: {  	[dreg:$0x4] =	wrdreg $0x9  }
0xb1: {  	_ =	task.clear_ibuf [dreg:s7], $0x5FFFF;
	_ =	strace $0x90000046  }
0xb2: {  	s29 =	simm.s32 $0x9;
	_ =	strace $0x80000048  }
0xb3: {  	_ =	swait.ge [sflag:s29], $0x1  }
0xb4: {  	[sflag:s29] =	ssyncadd.s32 $0xFFFFFFFF  }
0xb5: {  	_ =	strace $0x90000048  }
0xb6: {  	_ =	sfence  }
0xb7: {  	s30 =	sld [smem:$0x0];
	_ =	sdelay $0x2  }
0xb8: {  	s31 =	sshll.u32 s1, $0xD;
	s1 =	sshrl.u32 s1, $0x2  }
0xb9: {  	s3 =	sand.u32 $0x4000, s31;
	s1 =	sadd.s32 s1, s30  }
0xba: {  	s0 =	sor.u32 s3, s0;
	s1 =	sshll.u32 s1, $0x11  }
0xbb: {  	s0 =	sor.u32 s1, s0  }
0xbc: {  	s0 =	sadd.s32 $0x8F2B, s0  }
0xbd: {  	[sflag:s0] =	ssyncadd.remote.s32 $0x1  }
0xbe: {  	_ =	sfence.sel $0xFFFF  }
0xbf: {  	[dreg:$0x0] =	wrdreg $0xFFFFFFFF;
	(pc) =	sbr.abs _section_cstart, $3  }
0xc0: {  	[dreg:$0x1] =	wrdreg $0xFFFFFFFF  }
0xc1: {  	_ =	task.clear_ibuf [dreg:s7], $0x2FFFF;
	_ =	strace $0x9FFFFFFF  }
0xc2: {  	(tm) =	ssettm $0x7FFFFFFF  }
0xc3: {  	_ =	shalt  }
tec
execute0_lowered:
.L_overlay_start_1:
0x0: {  	(tag) =	ssettag $0x1  }
0x1: {  	s3 =	rddreg [dreg:$0x0]  }
0x2: {  	s5 =	rddreg [dreg:$0x1]  }
0x3: {  	s1 =	srdreg.scid;
	s0 =	rddreg [dreg:$0x2];
	s2 =	simm.s32 $0x0  }
0x4: {  	s4 =	sand.u32 $0x1, s1;
	[smem:$0x7FF] =	sst s2  }
0x5: {  	s1 =	stileid.u32;
	s6 =	sshll.u32 s4, $0x3;
	s30 =	ssub.s32 $0x2, s4  }
0x6: {  	s7 =	sshll.u32 s1, $0x4;
	s3 =	sadd.s32 s3, s6;
	s31 =	sshrl.u32 s30, $0x1  }
0x7: {  	_ =	strace $0x80000047;
	s4 =	sadd.s32 s7, s3;
	s6 =	ssub.s32 s30, s31  }
0x8: {  	[tilespmem:s2], [sflag:$0x1] =	stream.linear.gather [hbm4b:s4+s2], $0x40, $0x38;
	[tilespmem:$0x100] =	vst v63  }
0x9: {  	s3 =	simm.s32 $0x1;
	s7 =	smax.u32 s6, $0x1  }
0xa: {  	_ =	swait.ge [sflag:s3], $0x40;
	p0 =	sne.s32 s7, $0x1  }
.Ltmp0:
0xb: {  	[sflag:s3] =	ssyncset.done $0x0;
	(pc) =	sbr.rel @!p0 .LBB2_2-.Ltmp0, $4  }
0xc: {  	s5 =	sadd.s32 $0x400, s5;
	s6 =	simm.s32 $0x80;
	[sflag:s3] =	ssyncadd.s32 $0xFFFFFFC0  }
0xd: {  	[tilespmem:s6], [sflag:$0x1] =	stream.linear.gather [hbm4b:s5+s2], $0x80, $0x38;
	[tilespmem:$0x100] =	vst v63  }
0xe: {  	_ =	swait.ge [sflag:s3], $0x80  }
0xf: {  	s7 =	sadd.s32 $0xFFFFFFFF, s7;
	[sflag:s3] =	ssyncset.done $0x0  }
.LBB2_1:
0x10: {  	p0 =	sne.s32 s7, $0x1;
	s7 =	sadd.s32 $0xFFFFFFFF, s7;
	[sflag:s3] =	ssyncadd.s32 $0xFFFFFF80  }
0x11: {  	[tilespmem:s2], [sflag:$0x1] =	stream.linear.gather [hbm4b:s4+s2], $0x40, $0x38;
	[tilespmem:$0x100] =	vst v63  }
0x12: {  	_ =	swait.ge [sflag:s3], $0x40  }
.Ltmp1:
0x13: {  	[sflag:s3] =	ssyncset.done $0x0;
	(pc) =	sbr.rel @p0 .LBB2_1-.Ltmp1, $4  }
0x14: {  	[sflag:s3] =	ssyncadd.s32 $0xFFFFFFC0  }
0x15: {  	[tilespmem:s6], [sflag:$0x1] =	stream.linear.gather [hbm4b:s5+s2], $0x80, $0x38;
	[tilespmem:$0x100] =	vst v63  }
0x16: {  	_ =	swait.ge [sflag:s3], $0x80  }
0x17: {  	[sflag:s3] =	ssyncset.done $0x0  }
.LBB2_2:
0x18: {  	[sflag:s3] =	ssyncadd.s32 $0xFFFFFF80  }
0x19: {  	_ =	sfence.sel $0x180000  }
0x1a: {  	[bflag:$0x0] =	sbarrier.arrive $0xFFFF  }
0x1b: {  	p0 =	sne.s32 s1, $0x0;
	_ =	strace $0x90000047  }
0x1c: {  	s0 =	sadd.s32 @!p0 $0x100000, s0;
	[bflag:$0x2] =	sbarrier.arrive $0xFFFF  }
0x1d: {  	[sflag:s0] =	ssyncadd.tile.s32 @!p0 $0x1;
	_ =	shalt  }
.Lfunc_end2:
_tile_overlayer_lowered:
.L_overlay_start_2:
0x1e: {  	(tag) =	ssettag $0x2  }
0x1f: {  	s0 =	rddreg [dreg:$0x0];
	s2 =	stileid.u32  }
0x20: {  	s1 =	rddreg [dreg:$0x1];
	p0 =	sne.s32 s2, $0x0  }
0x21: {  	s3 =	rddreg [dreg:$0x2];
	[bflag:$0x3] =	sbarrier.arrive $0xFFFF;
	s2 =	simm.s32 @!p0 $0x1C01  }
0x22: {  	[timem:s3], [sflag:s2] =	dma.local @!p0 [hbm:s0], s1  }
0x23: {  	s0 =	simm.s32 @!p0 $0x1  }
0x24: {  	_ =	swait.ge @!p0 [sflag:s0], s1  }
0x25: {  	s1 =	ssub.s32 @!p0 $0x0, s1;
	[sflag:s0] =	ssyncset.done @!p0 $0x0  }
0x26: {  	[sflag:s0] =	ssyncadd.s32 @!p0 s1  }
0x27: {  	[bflag:$0x3] =	sbarrier.arrive $0xFFFF  }
0x28: {  	_ =	shalt  }

</sc_bundles>
